<compile_context>
chip_gen: v7x
topology: tpu7x:2x2x1
jax: 0.10.2.dev20260603
libtpu: 0.0.44.dev20260713+nightly
codegen_flags: <defaults>
</compile_context>

<pallas_src>
import jax
import jax.numpy as jnp
from jax import lax
from jax.experimental import pallas as pl
from jax.experimental.pallas import tpu as pltpu
from jax.experimental.pallas import tpu_sc as plsc

N_NODES = 10000
N_EDGES = 320000
EMB = 128
NUM_EMBEDDINGS = 95

NC, NS, LANES = 2, 16, 16
NW = NC * NS

BLK = 12800
NB = N_EDGES // BLK
NVB = BLK // LANES
MAX_BPW = (NB + NW - 1) // NW


def _sc_gather_body(z_hbm, ii_hbm, jj_hbm, zi_hbm, zj_hbm,
                    z_v, ii_v, jj_v, oi_v, oj_v, sem):
    wid = lax.axis_index("s") * NC + lax.axis_index("c")
    pltpu.async_copy(z_hbm, z_v, sem).wait()

    def do_block(blk):
        base = blk * BLK
        ci = pltpu.async_copy(ii_hbm.at[pl.ds(base, BLK)], ii_v, sem)
        cj = pltpu.async_copy(jj_hbm.at[pl.ds(base, BLK)], jj_v, sem)
        ci.wait()
        cj.wait()

        def body(k, c):
            for u in range(5):
                s = pl.ds((k * 5 + u) * LANES, LANES)
                oi_v[s] = plsc.load_gather(z_v, [ii_v[s]])
                oj_v[s] = plsc.load_gather(z_v, [jj_v[s]])
            return c

        lax.fori_loop(0, NVB // 5, body, 0)
        pltpu.sync_copy(oi_v, zi_hbm.at[blk, 0])
        pltpu.sync_copy(oj_v, zj_hbm.at[blk, 0])

    for t in range(MAX_BPW):
        blk = wid + NW * t
        if (t + 1) * NW <= NB:
            do_block(blk)
        else:
            @pl.when(blk < NB)
            def _():
                do_block(blk)


def _sc_gather(Z, ii, jj):
    mesh = plsc.VectorSubcoreMesh(core_axis_name="c", subcore_axis_name="s")
    f = pl.kernel(
        _sc_gather_body,
        mesh=mesh,
        out_type=(jax.ShapeDtypeStruct((NB, 1, BLK), jnp.int32),
                  jax.ShapeDtypeStruct((NB, 1, BLK), jnp.int32)),
        scratch_types=[
            pltpu.VMEM((N_NODES,), jnp.int32),
            pltpu.VMEM((BLK,), jnp.int32),
            pltpu.VMEM((BLK,), jnp.int32),
            pltpu.VMEM((BLK,), jnp.int32),
            pltpu.VMEM((BLK,), jnp.int32),
            pltpu.SemaphoreType.DMA,
        ],
        compiler_params=pltpu.CompilerParams(needs_layout_passes=False),
    )
    return f(Z, ii, jj)


def _silu_half(t):
    return t + t * jnp.tanh(t)


def _tc_body(rbf_ref, zi_ref, zj_ref, e_ref, wd_ref, wr_ref, br_ref, bd_ref,
             out_ref, wcat_scr, cat_scr):
    bf = jnp.bfloat16

    @pl.when(pl.program_id(0) == 0)
    def _():
        ew = e_ref[...]
        wcat_scr[0:128, :] = (0.5 * (jnp.dot(
            ew, wd_ref[0:128, :],
            preferred_element_type=jnp.float32) + bd_ref[...])).astype(bf)
        wcat_scr[128:256, :] = (0.5 * jnp.dot(
            ew, wd_ref[128:256, :],
            preferred_element_type=jnp.float32)).astype(bf)
        wcat_scr[256:384, :] = (0.5 * wd_ref[256:384, :]).astype(bf)

    zi = zi_ref[0, 0, :].astype(jnp.int16)
    zj = zj_ref[0, 0, :].astype(jnp.int16)
    ci = lax.broadcasted_iota(jnp.int16, (BLK, 128), 1)
    one = jnp.ones((), bf)
    zero = jnp.zeros((), bf)
    cat_scr[:, 0:128] = jnp.where(ci == zi[:, None], one, zero)
    cat_scr[:, 128:256] = jnp.where(ci == zj[:, None], one, zero)
    rt = lax.dot_general(rbf_ref[...].astype(bf),
                         (0.5 * wr_ref[...]).astype(bf),
                         (((0,), (0,)), ((), ())),
                         preferred_element_type=jnp.float32) + 0.5 * br_ref[...]
    cat_scr[:, 256:384] = _silu_half(rt).astype(bf)
    t = jnp.dot(cat_scr[...], wcat_scr[...],
                preferred_element_type=jnp.float32)
    out_ref[...] = _silu_half(t)


def kernel(Z, rbf, idnb_i, idnb_j, embeddings, W_rbf, b_rbf, W_dense, b_dense):
    Z = Z.astype(jnp.int32)
    ii = idnb_i.astype(jnp.int32)
    jj = idnb_j.astype(jnp.int32)

    zi3, zj3 = _sc_gather(Z, ii, jj)

    epad = jnp.pad(embeddings, ((0, 128 - NUM_EMBEDDINGS), (0, 0)))
    rbf_t = jnp.swapaxes(rbf, 0, 1)
    br = b_rbf.reshape(1, EMB)
    bd = b_dense.reshape(1, EMB)

    return pl.pallas_call(
        _tc_body,
        grid=(NB,),
        in_specs=[
            pl.BlockSpec((6, BLK), lambda i: (0, i)),
            pl.BlockSpec((1, 1, BLK), lambda i: (i, 0, 0)),
            pl.BlockSpec((1, 1, BLK), lambda i: (i, 0, 0)),
            pl.BlockSpec((128, 128), lambda i: (0, 0)),
            pl.BlockSpec((384, 128), lambda i: (0, 0)),
            pl.BlockSpec((6, 128), lambda i: (0, 0)),
            pl.BlockSpec((1, 128), lambda i: (0, 0)),
            pl.BlockSpec((1, 128), lambda i: (0, 0)),
        ],
        out_specs=pl.BlockSpec((BLK, EMB), lambda i: (i, 0)),
        out_shape=jax.ShapeDtypeStruct((N_EDGES, EMB), jnp.float32),
        scratch_shapes=[pltpu.VMEM((384, EMB), jnp.bfloat16),
                        pltpu.VMEM((BLK, 384), jnp.bfloat16)],
        compiler_params=pltpu.CompilerParams(
            dimension_semantics=("arbitrary",),
            fuse_transposed_lhs_in_matmul=True),
    )(rbf_t, zi3, zj3, epad, W_dense, W_rbf, br, bd)

# --- scband reference (transcript-rebuilt; emitter-appended) ---
"""Pipeline reference for scband-embedding-block-57088705299011 (READ-ONLY COPY).

The authoritative reference and input builder live on the scoring server;
editing this copy changes nothing except your own understanding.
"""

import jax, jax.numpy as jnp
import numpy as np

N_NODES = 10000
N_EDGES = 320000
EMB = 128
NUM_RADIAL = 6
NUM_EMBEDDINGS = 95

def silu(x):
    return x * jax.nn.sigmoid(x)

def setup_inputs(seed: int = 0) -> dict:
    key = jax.random.key(seed)
    k = jax.random.split(key, 9)
    Z = jax.random.randint(k[0], (N_NODES,), 0, NUM_EMBEDDINGS, dtype=jnp.int64 if jax.config.read('jax_enable_x64') else jnp.int32)
    rbf = jax.random.normal(k[1], (N_EDGES, NUM_RADIAL), dtype=jnp.float32)
    idnb_i = jax.random.randint(k[2], (N_EDGES,), 0, N_NODES, dtype=jnp.int32)
    idnb_j = jax.random.randint(k[3], (N_EDGES,), 0, N_NODES, dtype=jnp.int32)
    emb_init_range = float(np.sqrt(3.0))
    embeddings = jax.random.uniform(k[4], (NUM_EMBEDDINGS, EMB), minval=-emb_init_range, maxval=emb_init_range, dtype=jnp.float32)
    # nn.Linear default init: U(-1/sqrt(fan_in), 1/sqrt(fan_in))
    b1 = 1.0 / np.sqrt(NUM_RADIAL)
    W_rbf = jax.random.uniform(k[5], (NUM_RADIAL, EMB), minval=-b1, maxval=b1, dtype=jnp.float32)
    b_rbf = jax.random.uniform(k[6], (EMB,), minval=-b1, maxval=b1, dtype=jnp.float32)
    b2 = 1.0 / np.sqrt(3 * EMB)
    W_dense = jax.random.uniform(k[7], (3 * EMB, EMB), minval=-b2, maxval=b2, dtype=jnp.float32)
    b_dense = jax.random.uniform(k[8], (EMB,), minval=-b2, maxval=b2, dtype=jnp.float32)
    return {"Z": Z, "rbf": rbf, "idnb_i": idnb_i, "idnb_j": idnb_j,
            "embeddings": embeddings, "W_rbf": W_rbf, "b_rbf": b_rbf,
            "W_dense": W_dense, "b_dense": b_dense}

def reference(Z, rbf, idnb_i, idnb_j, embeddings, W_rbf, b_rbf, W_dense, b_dense):
    rbf_t = silu(rbf @ W_rbf + b_rbf)              # (E, emb)
    Z_i = jnp.take(Z, idnb_i, axis=0)              # (E,)
    Z_j = jnp.take(Z, idnb_j, axis=0)              # (E,)
    x_i = jnp.take(embeddings, Z_i, axis=0)        # (E, emb)
    x_j = jnp.take(embeddings, Z_j, axis=0)        # (E, emb)
    x = jnp.concatenate([x_i, x_j, rbf_t], axis=-1)  # (E, 3*emb)
    x = silu(x @ W_dense + b_dense)                # (E, emb)
    return x

if __name__ == "__main__":
    import jax
    _d = setup_inputs()
    print(jax.jit(kernel)(*tuple(_d.values())))

</pallas_src>

<mosaic_0001>
#map = affine_map<(d0, d1) -> (0)>
#map1 = affine_map<(d0, d1) -> (0, 0, 0)>
module attributes {stable_mosaic.version = 14 : i64} {
  func.func @_sc_gather_body(%arg0: i32, %arg1: i32, %arg2: memref<10000xi32, #tpu.memory_space<hbm>>, %arg3: memref<320000xi32, #tpu.memory_space<hbm>>, %arg4: memref<320000xi32, #tpu.memory_space<hbm>>, %arg5: memref<25x1x12800xi32, #tpu.memory_space<hbm>>, %arg6: memref<25x1x12800xi32, #tpu.memory_space<hbm>>, %arg7: memref<10000xi32, #tpu.memory_space<vmem>>, %arg8: memref<12800xi32, #tpu.memory_space<vmem>>, %arg9: memref<12800xi32, #tpu.memory_space<vmem>>, %arg10: memref<12800xi32, #tpu.memory_space<vmem>>, %arg11: memref<12800xi32, #tpu.memory_space<vmem>>, %arg12: memref<!tpu.dma_semaphore, #tpu.memory_space<semaphore_mem>>) attributes {dimension_semantics = [#tpu.dimension_semantics<core_parallel>, #tpu.dimension_semantics<subcore_parallel>], iteration_bounds = array<i64: 2, 16>, scalar_prefetch = 0 : i64, scratch_operands = 6 : i64, tpu.core_type = #tpu.core_type<sc_vector_subcore>, window_params = [{transform_indices = #map}, {transform_indices = #map}, {transform_indices = #map}, {transform_indices = #map1}, {transform_indices = #map1}]} {
    %mul3A = arith.constant 2 : i32
    %mul3A_0 = arith.muli %arg1, %mul3A : i32
    %add3A = arith.addi %mul3A_0, %arg0 : i32
    tpu.enqueue_dma source(%arg2 : memref<10000xi32, #tpu.memory_space<hbm>>) target(%arg7 : memref<10000xi32, #tpu.memory_space<vmem>>) target_semaphore(%arg12 : memref<!tpu.dma_semaphore, #tpu.memory_space<semaphore_mem>>)
    tpu.wait_dma2 semaphore(%arg12 : memref<!tpu.dma_semaphore, #tpu.memory_space<semaphore_mem>>) src(%arg2 : memref<10000xi32, #tpu.memory_space<hbm>>) dst(%arg7 : memref<10000xi32, #tpu.memory_space<vmem>>)
    %add3A_1 = arith.constant 0 : i32
    %add3A_2 = arith.addi %add3A, %add3A_1 : i32
    %lt3A = arith.constant 25 : i32
    %lt3A_3 = arith.cmpi slt, %add3A_2, %lt3A : i32
    %convert_element_type3A = arith.extui %lt3A_3 : i1 to i32
    %cond3A = arith.constant 0 : i32
    %cond3A_4 = arith.cmpi ne, %convert_element_type3A, %cond3A : i32
    scf.if %cond3A_4 {
      %mul3A_5 = arith.constant 12800 : i32
      %mul3A_6 = arith.muli %add3A_2, %mul3A_5 : i32
      %dma_start3A = tpu.memref_slice %arg3[%mul3A_6] : memref<320000xi32, #tpu.memory_space<hbm>> -> memref<12800xi32, #tpu.memory_space<hbm>>
      %dma_start3A_7 = tpu.memref_slice %arg3[%mul3A_6] : memref<320000xi32, #tpu.memory_space<hbm>> -> memref<12800xi32, #tpu.memory_space<hbm>>
      tpu.enqueue_dma source(%dma_start3A_7 : memref<12800xi32, #tpu.memory_space<hbm>>) target(%arg8 : memref<12800xi32, #tpu.memory_space<vmem>>) target_semaphore(%arg12 : memref<!tpu.dma_semaphore, #tpu.memory_space<semaphore_mem>>)
      %dma_start3A_8 = tpu.memref_slice %arg4[%mul3A_6] : memref<320000xi32, #tpu.memory_space<hbm>> -> memref<12800xi32, #tpu.memory_space<hbm>>
      %dma_start3A_9 = tpu.memref_slice %arg4[%mul3A_6] : memref<320000xi32, #tpu.memory_space<hbm>> -> memref<12800xi32, #tpu.memory_space<hbm>>
      tpu.enqueue_dma source(%dma_start3A_9 : memref<12800xi32, #tpu.memory_space<hbm>>) target(%arg9 : memref<12800xi32, #tpu.memory_space<vmem>>) target_semaphore(%arg12 : memref<!tpu.dma_semaphore, #tpu.memory_space<semaphore_mem>>)
      %dma_wait3A = tpu.memref_slice %arg3[%mul3A_6] : memref<320000xi32, #tpu.memory_space<hbm>> -> memref<12800xi32, #tpu.memory_space<hbm>>
      %dma_wait3A_10 = tpu.memref_slice %arg3[%mul3A_6] : memref<320000xi32, #tpu.memory_space<hbm>> -> memref<12800xi32, #tpu.memory_space<hbm>>
      tpu.wait_dma2 semaphore(%arg12 : memref<!tpu.dma_semaphore, #tpu.memory_space<semaphore_mem>>) src(%dma_wait3A_10 : memref<12800xi32, #tpu.memory_space<hbm>>) dst(%arg8 : memref<12800xi32, #tpu.memory_space<vmem>>)
      %dma_wait3A_11 = tpu.memref_slice %arg4[%mul3A_6] : memref<320000xi32, #tpu.memory_space<hbm>> -> memref<12800xi32, #tpu.memory_space<hbm>>
      %dma_wait3A_12 = tpu.memref_slice %arg4[%mul3A_6] : memref<320000xi32, #tpu.memory_space<hbm>> -> memref<12800xi32, #tpu.memory_space<hbm>>
      tpu.wait_dma2 semaphore(%arg12 : memref<!tpu.dma_semaphore, #tpu.memory_space<semaphore_mem>>) src(%dma_wait3A_12 : memref<12800xi32, #tpu.memory_space<hbm>>) dst(%arg9 : memref<12800xi32, #tpu.memory_space<vmem>>)
      %scan3A = arith.constant 0 : i32
      %scan3A_13 = arith.constant 0 : i32
      %scan3A_14 = arith.constant 160 : i32
      %scan3A_15 = arith.addi %scan3A_13, %scan3A_14 : i32
      %scan3A_16 = arith.constant 1 : i32
      scf.for %scan3A_19 = %scan3A_13 to %scan3A_15 step %scan3A_16  : i32 {
        %mul3A_20 = arith.constant 5 : i32
        %mul3A_21 = arith.muli %scan3A_19, %mul3A_20 : i32
        %add3A_22 = arith.constant 0 : i32
        %add3A_23 = arith.addi %mul3A_21, %add3A_22 : i32
        %mul3A_24 = arith.constant 16 : i32
        %mul3A_25 = arith.muli %add3A_23, %mul3A_24 : i32
        %get3A = arith.index_cast %mul3A_25 : i32 to index
        %get3A_26 = tpu.vector_load %arg8[%get3A] {strides = array<i32>} : memref<12800xi32, #tpu.memory_space<vmem>>, vector<16xi32>,
        %gather3A = tpu.vector_load_idx %arg7[%get3A_26] : memref<10000xi32, #tpu.memory_space<vmem>>[vector<16xi32>], vector<16xi32>,
        %swap3A = arith.index_cast %mul3A_25 : i32 to index
        %swap3A_27 = tpu.vector_load %arg10[%swap3A] {strides = array<i32>} : memref<12800xi32, #tpu.memory_space<vmem>>, vector<16xi32>,
        tpu.vector_store %arg10[%swap3A], %gather3A {strides = array<i32>} : memref<12800xi32, #tpu.memory_space<vmem>>, vector<16xi32>,
        %get3A_28 = arith.index_cast %mul3A_25 : i32 to index
        %get3A_29 = tpu.vector_load %arg9[%get3A_28] {strides = array<i32>} : memref<12800xi32, #tpu.memory_space<vmem>>, vector<16xi32>,
        %gather3A_30 = tpu.vector_load_idx %arg7[%get3A_29] : memref<10000xi32, #tpu.memory_space<vmem>>[vector<16xi32>], vector<16xi32>,
        %swap3A_31 = arith.index_cast %mul3A_25 : i32 to index
        %swap3A_32 = tpu.vector_load %arg11[%swap3A_31] {strides = array<i32>} : memref<12800xi32, #tpu.memory_space<vmem>>, vector<16xi32>,
        tpu.vector_store %arg11[%swap3A_31], %gather3A_30 {strides = array<i32>} : memref<12800xi32, #tpu.memory_space<vmem>>, vector<16xi32>,
        %mul3A_33 = arith.constant 5 : i32
        %mul3A_34 = arith.muli %scan3A_19, %mul3A_33 : i32
        %add3A_35 = arith.constant 1 : i32
        %add3A_36 = arith.addi %mul3A_34, %add3A_35 : i32
        %mul3A_37 = arith.constant 16 : i32
        %mul3A_38 = arith.muli %add3A_36, %mul3A_37 : i32
        %get3A_39 = arith.index_cast %mul3A_38 : i32 to index
        %get3A_40 = tpu.vector_load %arg8[%get3A_39] {strides = array<i32>} : memref<12800xi32, #tpu.memory_space<vmem>>, vector<16xi32>,
        %gather3A_41 = tpu.vector_load_idx %arg7[%get3A_40] : memref<10000xi32, #tpu.memory_space<vmem>>[vector<16xi32>], vector<16xi32>,
        %swap3A_42 = arith.index_cast %mul3A_38 : i32 to index
        %swap3A_43 = tpu.vector_load %arg10[%swap3A_42] {strides = array<i32>} : memref<12800xi32, #tpu.memory_space<vmem>>, vector<16xi32>,
        tpu.vector_store %arg10[%swap3A_42], %gather3A_41 {strides = array<i32>} : memref<12800xi32, #tpu.memory_space<vmem>>, vector<16xi32>,
        %get3A_44 = arith.index_cast %mul3A_38 : i32 to index
        %get3A_45 = tpu.vector_load %arg9[%get3A_44] {strides = array<i32>} : memref<12800xi32, #tpu.memory_space<vmem>>, vector<16xi32>,
        %gather3A_46 = tpu.vector_load_idx %arg7[%get3A_45] : memref<10000xi32, #tpu.memory_space<vmem>>[vector<16xi32>], vector<16xi32>,
        %swap3A_47 = arith.index_cast %mul3A_38 : i32 to index
        %swap3A_48 = tpu.vector_load %arg11[%swap3A_47] {strides = array<i32>} : memref<12800xi32, #tpu.memory_space<vmem>>, vector<16xi32>,
        tpu.vector_store %arg11[%swap3A_47], %gather3A_46 {strides = array<i32>} : memref<12800xi32, #tpu.memory_space<vmem>>, vector<16xi32>,
        %mul3A_49 = arith.constant 5 : i32
        %mul3A_50 = arith.muli %scan3A_19, %mul3A_49 : i32
        %add3A_51 = arith.constant 2 : i32
        %add3A_52 = arith.addi %mul3A_50, %add3A_51 : i32
        %mul3A_53 = arith.constant 16 : i32
        %mul3A_54 = arith.muli %add3A_52, %mul3A_53 : i32
        %get3A_55 = arith.index_cast %mul3A_54 : i32 to index
        %get3A_56 = tpu.vector_load %arg8[%get3A_55] {strides = array<i32>} : memref<12800xi32, #tpu.memory_space<vmem>>, vector<16xi32>,
        %gather3A_57 = tpu.vector_load_idx %arg7[%get3A_56] : memref<10000xi32, #tpu.memory_space<vmem>>[vector<16xi32>], vector<16xi32>,
        %swap3A_58 = arith.index_cast %mul3A_54 : i32 to index
        %swap3A_59 = tpu.vector_load %arg10[%swap3A_58] {strides = array<i32>} : memref<12800xi32, #tpu.memory_space<vmem>>, vector<16xi32>,
        tpu.vector_store %arg10[%swap3A_58], %gather3A_57 {strides = array<i32>} : memref<12800xi32, #tpu.memory_space<vmem>>, vector<16xi32>,
        %get3A_60 = arith.index_cast %mul3A_54 : i32 to index
        %get3A_61 = tpu.vector_load %arg9[%get3A_60] {strides = array<i32>} : memref<12800xi32, #tpu.memory_space<vmem>>, vector<16xi32>,
        %gather3A_62 = tpu.vector_load_idx %arg7[%get3A_61] : memref<10000xi32, #tpu.memory_space<vmem>>[vector<16xi32>], vector<16xi32>,
        %swap3A_63 = arith.index_cast %mul3A_54 : i32 to index
        %swap3A_64 = tpu.vector_load %arg11[%swap3A_63] {strides = array<i32>} : memref<12800xi32, #tpu.memory_space<vmem>>, vector<16xi32>,
        tpu.vector_store %arg11[%swap3A_63], %gather3A_62 {strides = array<i32>} : memref<12800xi32, #tpu.memory_space<vmem>>, vector<16xi32>,
        %mul3A_65 = arith.constant 5 : i32
        %mul3A_66 = arith.muli %scan3A_19, %mul3A_65 : i32
        %add3A_67 = arith.constant 3 : i32
        %add3A_68 = arith.addi %mul3A_66, %add3A_67 : i32
        %mul3A_69 = arith.constant 16 : i32
        %mul3A_70 = arith.muli %add3A_68, %mul3A_69 : i32
        %get3A_71 = arith.index_cast %mul3A_70 : i32 to index
        %get3A_72 = tpu.vector_load %arg8[%get3A_71] {strides = array<i32>} : memref<12800xi32, #tpu.memory_space<vmem>>, vector<16xi32>,
        %gather3A_73 = tpu.vector_load_idx %arg7[%get3A_72] : memref<10000xi32, #tpu.memory_space<vmem>>[vector<16xi32>], vector<16xi32>,
        %swap3A_74 = arith.index_cast %mul3A_70 : i32 to index
        %swap3A_75 = tpu.vector_load %arg10[%swap3A_74] {strides = array<i32>} : memref<12800xi32, #tpu.memory_space<vmem>>, vector<16xi32>,
        tpu.vector_store %arg10[%swap3A_74], %gather3A_73 {strides = array<i32>} : memref<12800xi32, #tpu.memory_space<vmem>>, vector<16xi32>,
        %get3A_76 = arith.index_cast %mul3A_70 : i32 to index
        %get3A_77 = tpu.vector_load %arg9[%get3A_76] {strides = array<i32>} : memref<12800xi32, #tpu.memory_space<vmem>>, vector<16xi32>,
        %gather3A_78 = tpu.vector_load_idx %arg7[%get3A_77] : memref<10000xi32, #tpu.memory_space<vmem>>[vector<16xi32>], vector<16xi32>,
        %swap3A_79 = arith.index_cast %mul3A_70 : i32 to index
        %swap3A_80 = tpu.vector_load %arg11[%swap3A_79] {strides = array<i32>} : memref<12800xi32, #tpu.memory_space<vmem>>, vector<16xi32>,
        tpu.vector_store %arg11[%swap3A_79], %gather3A_78 {strides = array<i32>} : memref<12800xi32, #tpu.memory_space<vmem>>, vector<16xi32>,
        %mul3A_81 = arith.constant 5 : i32
        %mul3A_82 = arith.muli %scan3A_19, %mul3A_81 : i32
        %add3A_83 = arith.constant 4 : i32
        %add3A_84 = arith.addi %mul3A_82, %add3A_83 : i32
        %mul3A_85 = arith.constant 16 : i32
        %mul3A_86 = arith.muli %add3A_84, %mul3A_85 : i32
        %get3A_87 = arith.index_cast %mul3A_86 : i32 to index
        %get3A_88 = tpu.vector_load %arg8[%get3A_87] {strides = array<i32>} : memref<12800xi32, #tpu.memory_space<vmem>>, vector<16xi32>,
        %gather3A_89 = tpu.vector_load_idx %arg7[%get3A_88] : memref<10000xi32, #tpu.memory_space<vmem>>[vector<16xi32>], vector<16xi32>,
        %swap3A_90 = arith.index_cast %mul3A_86 : i32 to index
        %swap3A_91 = tpu.vector_load %arg10[%swap3A_90] {strides = array<i32>} : memref<12800xi32, #tpu.memory_space<vmem>>, vector<16xi32>,
        tpu.vector_store %arg10[%swap3A_90], %gather3A_89 {strides = array<i32>} : memref<12800xi32, #tpu.memory_space<vmem>>, vector<16xi32>,
        %get3A_92 = arith.index_cast %mul3A_86 : i32 to index
        %get3A_93 = tpu.vector_load %arg9[%get3A_92] {strides = array<i32>} : memref<12800xi32, #tpu.memory_space<vmem>>, vector<16xi32>,
        %gather3A_94 = tpu.vector_load_idx %arg7[%get3A_93] : memref<10000xi32, #tpu.memory_space<vmem>>[vector<16xi32>], vector<16xi32>,
        %swap3A_95 = arith.index_cast %mul3A_86 : i32 to index
        %swap3A_96 = tpu.vector_load %arg11[%swap3A_95] {strides = array<i32>} : memref<12800xi32, #tpu.memory_space<vmem>>, vector<16xi32>,
        tpu.vector_store %arg11[%swap3A_95], %gather3A_94 {strides = array<i32>} : memref<12800xi32, #tpu.memory_space<vmem>>, vector<16xi32>,
      }
      %scan3A_17 = arith.constant 160 : i32
      %run_scoped3A = arith.constant 0 : i32
      "tpu.region"() ({
        %run_scoped3A_19 = tpu.sem_alloc : memref<!tpu.dma_semaphore, #tpu.memory_space<semaphore_mem>>
        %dma_start3A_20 = arith.constant 0 : i32
        %dma_start3A_21 = tpu.memref_slice %arg5[%add3A_2, %run_scoped3A, %dma_start3A_20] : memref<25x1x12800xi32, #tpu.memory_space<hbm>> -> memref<1x1x12800xi32, #tpu.memory_space<hbm>>
        %dma_start3A_22 = tpu.memref_squeeze %dma_start3A_21 : memref<1x1x12800xi32, #tpu.memory_space<hbm>> -> memref<12800xi32, #tpu.memory_space<hbm>>
        %dma_start3A_23 = arith.constant 0 : i32
        %dma_start3A_24 = tpu.memref_slice %arg5[%add3A_2, %run_scoped3A, %dma_start3A_23] : memref<25x1x12800xi32, #tpu.memory_space<hbm>> -> memref<1x1x12800xi32, #tpu.memory_space<hbm>>
        %dma_start3A_25 = tpu.memref_squeeze %dma_start3A_24 : memref<1x1x12800xi32, #tpu.memory_space<hbm>> -> memref<12800xi32, #tpu.memory_space<hbm>>
        tpu.enqueue_dma source(%arg10 : memref<12800xi32, #tpu.memory_space<vmem>>) target(%dma_start3A_25 : memref<12800xi32, #tpu.memory_space<hbm>>) target_semaphore(%run_scoped3A_19 : memref<!tpu.dma_semaphore, #tpu.memory_space<semaphore_mem>>)
        %dma_wait3A_26 = arith.constant 0 : i32
        %dma_wait3A_27 = tpu.memref_slice %arg5[%add3A_2, %run_scoped3A, %dma_wait3A_26] : memref<25x1x12800xi32, #tpu.memory_space<hbm>> -> memref<1x1x12800xi32, #tpu.memory_space<hbm>>
        %dma_wait3A_28 = tpu.memref_squeeze %dma_wait3A_27 : memref<1x1x12800xi32, #tpu.memory_space<hbm>> -> memref<12800xi32, #tpu.memory_space<hbm>>
        %dma_wait3A_29 = arith.constant 0 : i32
        %dma_wait3A_30 = tpu.memref_slice %arg5[%add3A_2, %run_scoped3A, %dma_wait3A_29] : memref<25x1x12800xi32, #tpu.memory_space<hbm>> -> memref<1x1x12800xi32, #tpu.memory_space<hbm>>
        %dma_wait3A_31 = tpu.memref_squeeze %dma_wait3A_30 : memref<1x1x12800xi32, #tpu.memory_space<hbm>> -> memref<12800xi32, #tpu.memory_space<hbm>>
        tpu.wait_dma2 semaphore(%run_scoped3A_19 : memref<!tpu.dma_semaphore, #tpu.memory_space<semaphore_mem>>) src(%arg10 : memref<12800xi32, #tpu.memory_space<vmem>>) dst(%dma_wait3A_31 : memref<12800xi32, #tpu.memory_space<hbm>>)
        tpu.yield
      }) : () -> ()
      %run_scoped3A_18 = arith.constant 0 : i32
      "tpu.region"() ({
        %run_scoped3A_19 = tpu.sem_alloc : memref<!tpu.dma_semaphore, #tpu.memory_space<semaphore_mem>>
        %dma_start3A_20 = arith.constant 0 : i32
        %dma_start3A_21 = tpu.memref_slice %arg6[%add3A_2, %run_scoped3A_18, %dma_start3A_20] : memref<25x1x12800xi32, #tpu.memory_space<hbm>> -> memref<1x1x12800xi32, #tpu.memory_space<hbm>>
        %dma_start3A_22 = tpu.memref_squeeze %dma_start3A_21 : memref<1x1x12800xi32, #tpu.memory_space<hbm>> -> memref<12800xi32, #tpu.memory_space<hbm>>
        %dma_start3A_23 = arith.constant 0 : i32
        %dma_start3A_24 = tpu.memref_slice %arg6[%add3A_2, %run_scoped3A_18, %dma_start3A_23] : memref<25x1x12800xi32, #tpu.memory_space<hbm>> -> memref<1x1x12800xi32, #tpu.memory_space<hbm>>
        %dma_start3A_25 = tpu.memref_squeeze %dma_start3A_24 : memref<1x1x12800xi32, #tpu.memory_space<hbm>> -> memref<12800xi32, #tpu.memory_space<hbm>>
        tpu.enqueue_dma source(%arg11 : memref<12800xi32, #tpu.memory_space<vmem>>) target(%dma_start3A_25 : memref<12800xi32, #tpu.memory_space<hbm>>) target_semaphore(%run_scoped3A_19 : memref<!tpu.dma_semaphore, #tpu.memory_space<semaphore_mem>>)
        %dma_wait3A_26 = arith.constant 0 : i32
        %dma_wait3A_27 = tpu.memref_slice %arg6[%add3A_2, %run_scoped3A_18, %dma_wait3A_26] : memref<25x1x12800xi32, #tpu.memory_space<hbm>> -> memref<1x1x12800xi32, #tpu.memory_space<hbm>>
        %dma_wait3A_28 = tpu.memref_squeeze %dma_wait3A_27 : memref<1x1x12800xi32, #tpu.memory_space<hbm>> -> memref<12800xi32, #tpu.memory_space<hbm>>
        %dma_wait3A_29 = arith.constant 0 : i32
        %dma_wait3A_30 = tpu.memref_slice %arg6[%add3A_2, %run_scoped3A_18, %dma_wait3A_29] : memref<25x1x12800xi32, #tpu.memory_space<hbm>> -> memref<1x1x12800xi32, #tpu.memory_space<hbm>>
        %dma_wait3A_31 = tpu.memref_squeeze %dma_wait3A_30 : memref<1x1x12800xi32, #tpu.memory_space<hbm>> -> memref<12800xi32, #tpu.memory_space<hbm>>
        tpu.wait_dma2 semaphore(%run_scoped3A_19 : memref<!tpu.dma_semaphore, #tpu.memory_space<semaphore_mem>>) src(%arg11 : memref<12800xi32, #tpu.memory_space<vmem>>) dst(%dma_wait3A_31 : memref<12800xi32, #tpu.memory_space<hbm>>)
        tpu.yield
      }) : () -> ()
    } else {
    }
    return
  }
}

module attributes {stable_mosaic.version = 14 : i64} {
  func.func @_tc_body(%arg0: i32, %arg1: memref<6x12800xf32, #tpu.memory_space<vmem>>, %arg2: memref<1x1x12800xi32, #tpu.memory_space<vmem>>, %arg3: memref<1x1x12800xi32, #tpu.memory_space<vmem>>, %arg4: memref<128x128xf32, #tpu.memory_space<vmem>>, %arg5: memref<384x128xf32, #tpu.memory_space<vmem>>, %arg6: memref<6x128xf32, #tpu.memory_space<vmem>>, %arg7: memref<1x128xf32, #tpu.memory_space<vmem>>, %arg8: memref<1x128xf32, #tpu.memory_space<vmem>>, %arg9: memref<12800x128xf32, #tpu.memory_space<vmem>>, %arg10: memref<384x128xbf16, #tpu.memory_space<vmem>>, %arg11: memref<12800x384xbf16, #tpu.memory_space<vmem>>) attributes {dimension_semantics = [#tpu.dimension_semantics<arbitrary>], iteration_bounds = array<i64: 25>, scalar_prefetch = 0 : i64, scratch_operands = 2 : i64, tpu.core_type = #tpu.core_type<tc>, window_params = [{transform_indices = @transform_0, window_bounds = array<i64: 6, 12800>}, {transform_indices = @transform_1, window_bounds = array<i64: 1, 1, 12800>}, {transform_indices = @transform_2, window_bounds = array<i64: 1, 1, 12800>}, {pipeline_mode = #tpu.pipeline_mode<synchronous>, transform_indices = @transform_3, window_bounds = array<i64: 128, 128>}, {pipeline_mode = #tpu.pipeline_mode<synchronous>, transform_indices = @transform_4, window_bounds = array<i64: 384, 128>}, {pipeline_mode = #tpu.pipeline_mode<synchronous>, transform_indices = @transform_5, window_bounds = array<i64: 6, 128>}, {pipeline_mode = #tpu.pipeline_mode<synchronous>, transform_indices = @transform_6, window_bounds = array<i64: 1, 128>}, {pipeline_mode = #tpu.pipeline_mode<synchronous>, transform_indices = @transform_7, window_bounds = array<i64: 1, 128>}, {transform_indices = @transform_8, window_bounds = array<i64: 12800, 128>}]} {
    %eq3A = arith.constant 0 : i32
    %eq3A_0 = arith.cmpi eq, %arg0, %eq3A : i32
    %convert_element_type3A = arith.extui %eq3A_0 : i1 to i32
    %cond3A = arith.constant 0 : i32
    %cond3A_1 = arith.cmpi ne, %convert_element_type3A, %cond3A : i32
    scf.if %cond3A_1 {
      %get3A_69 = arith.constant 0 : index
      %get3A_70 = arith.constant 0 : index
      %get3A_71 = vector.load %arg4[%get3A_69, %get3A_70] : memref<128x128xf32, #tpu.memory_space<vmem>>, vector<128x128xf32>
      %get3A_72 = arith.constant 0 : index
      %get3A_73 = arith.constant 0 : index
      %get3A_74 = vector.load %arg5[%get3A_72, %get3A_73] : memref<384x128xf32, #tpu.memory_space<vmem>>, vector<128x128xf32>
      %dot_general3A_75 = arith.constant dense<0.000000e+00> : vector<128x128xf32>
      %dot_general3A_76 = tpu.matmul %get3A_71, %get3A_74, %dot_general3A_75 {dimension_numbers = #tpu.dot_dimension_numbers<[1], [0], [0], [1], [0, 0, 1, 1], [], []>, transpose_lhs_hint = false} : vector<128x128xf32>, vector<128x128xf32>, vector<128x128xf32> -> vector<128x128xf32>
      %get3A_77 = arith.constant 0 : index
      %get3A_78 = arith.constant 0 : index
      %get3A_79 = vector.load %arg8[%get3A_77, %get3A_78] : memref<1x128xf32, #tpu.memory_space<vmem>>, vector<1x128xf32>
      %add3A_80 = vector.broadcast %get3A_79 : vector<1x128xf32> to vector<128x128xf32>
      %add3A_81 = arith.addf %dot_general3A_76, %add3A_80 : vector<128x128xf32>
      %mul3A_82 = arith.constant 5.000000e-01 : f32
      %mul3A_83 = vector.broadcast %mul3A_82 : f32 to vector<128x128xf32>
      %mul3A_84 = arith.mulf %mul3A_83, %add3A_81 : vector<128x128xf32>
      %convert_element_type3A_85 = arith.truncf %mul3A_84 : vector<128x128xf32> to vector<128x128xbf16>
      %swap3A_86 = arith.constant 0 : index
      %swap3A_87 = arith.constant 0 : index
      %swap3A_88 = vector.load %arg10[%swap3A_86, %swap3A_87] : memref<384x128xbf16, #tpu.memory_space<vmem>>, vector<128x128xbf16>
      tpu.vector_store %arg10[%swap3A_86, %swap3A_87], %convert_element_type3A_85 {strides = array<i32>} : memref<384x128xbf16, #tpu.memory_space<vmem>>, vector<128x128xbf16>,
      %get3A_89 = arith.constant 128 : index
      %get3A_90 = arith.constant 0 : index
      %get3A_91 = vector.load %arg5[%get3A_89, %get3A_90] : memref<384x128xf32, #tpu.memory_space<vmem>>, vector<128x128xf32>
      %dot_general3A_92 = arith.constant dense<0.000000e+00> : vector<128x128xf32>
      %dot_general3A_93 = tpu.matmul %get3A_71, %get3A_91, %dot_general3A_92 {dimension_numbers = #tpu.dot_dimension_numbers<[1], [0], [0], [1], [0, 0, 1, 1], [], []>, transpose_lhs_hint = false} : vector<128x128xf32>, vector<128x128xf32>, vector<128x128xf32> -> vector<128x128xf32>
      %mul3A_94 = arith.constant 5.000000e-01 : f32
      %mul3A_95 = vector.broadcast %mul3A_94 : f32 to vector<128x128xf32>
      %mul3A_96 = arith.mulf %mul3A_95, %dot_general3A_93 : vector<128x128xf32>
      %convert_element_type3A_97 = arith.truncf %mul3A_96 : vector<128x128xf32> to vector<128x128xbf16>
      %swap3A_98 = arith.constant 128 : index
      %swap3A_99 = arith.constant 0 : index
      %swap3A_100 = vector.load %arg10[%swap3A_98, %swap3A_99] : memref<384x128xbf16, #tpu.memory_space<vmem>>, vector<128x128xbf16>
      tpu.vector_store %arg10[%swap3A_98, %swap3A_99], %convert_element_type3A_97 {strides = array<i32>} : memref<384x128xbf16, #tpu.memory_space<vmem>>, vector<128x128xbf16>,
      %get3A_101 = arith.constant 256 : index
      %get3A_102 = arith.constant 0 : index
      %get3A_103 = vector.load %arg5[%get3A_101, %get3A_102] : memref<384x128xf32, #tpu.memory_space<vmem>>, vector<128x128xf32>
      %mul3A_104 = arith.constant 5.000000e-01 : f32
      %mul3A_105 = vector.broadcast %mul3A_104 : f32 to vector<128x128xf32>
      %mul3A_106 = arith.mulf %mul3A_105, %get3A_103 : vector<128x128xf32>
      %convert_element_type3A_107 = arith.truncf %mul3A_106 : vector<128x128xf32> to vector<128x128xbf16>
      %swap3A_108 = arith.constant 256 : index
      %swap3A_109 = arith.constant 0 : index
      %swap3A_110 = vector.load %arg10[%swap3A_108, %swap3A_109] : memref<384x128xbf16, #tpu.memory_space<vmem>>, vector<128x128xbf16>
      tpu.vector_store %arg10[%swap3A_108, %swap3A_109], %convert_element_type3A_107 {strides = array<i32>} : memref<384x128xbf16, #tpu.memory_space<vmem>>, vector<128x128xbf16>,
    } else {
    }
    %get3A = arith.constant 0 : index
    %get3A_2 = arith.constant 0 : index
    %get3A_3 = arith.constant 0 : index
    %get3A_4 = vector.load %arg2[%get3A, %get3A_2, %get3A_3] : memref<1x1x12800xi32, #tpu.memory_space<vmem>>, vector<1x1x12800xi32>
    %get3A_5 = vector.shape_cast %get3A_4 : vector<1x1x12800xi32> to vector<12800xi32>
    %convert_element_type3A_6 = arith.trunci %get3A_5 : vector<12800xi32> to vector<12800xi16>
    %get3A_7 = arith.constant 0 : index
    %get3A_8 = arith.constant 0 : index
    %get3A_9 = arith.constant 0 : index
    %get3A_10 = vector.load %arg3[%get3A_7, %get3A_8, %get3A_9] : memref<1x1x12800xi32, #tpu.memory_space<vmem>>, vector<1x1x12800xi32>
    %get3A_11 = vector.shape_cast %get3A_10 : vector<1x1x12800xi32> to vector<12800xi32>
    %convert_element_type3A_12 = arith.trunci %get3A_11 : vector<12800xi32> to vector<12800xi16>
    %iota3A = tpu.iota {dimensions = array<i32: 1>} : vector<12800x128xi16>
    %broadcast_in_dim3A = vector.shape_cast %convert_element_type3A_6 : vector<12800xi16> to vector<12800x1xi16>
    %eq3A_13 = vector.broadcast %broadcast_in_dim3A : vector<12800x1xi16> to vector<12800x128xi16>
    %eq3A_14 = arith.cmpi eq, %iota3A, %eq3A_13 : vector<12800x128xi16>
    %jit3A = arith.constant 1.000000e+00 : bf16
    %jit3A_15 = arith.constant 0.000000e+00 : bf16
    %broadcast_in_dim3A_16 = vector.broadcast %jit3A : bf16 to vector<12800x128xbf16>
    %broadcast_in_dim3A_17 = vector.broadcast %jit3A_15 : bf16 to vector<12800x128xbf16>
    %select_n3A = arith.select %eq3A_14, %broadcast_in_dim3A_16, %broadcast_in_dim3A_17 : vector<12800x128xi1>, vector<12800x128xbf16>
    %swap3A = arith.constant 0 : index
    %swap3A_18 = arith.constant 0 : index
    %swap3A_19 = vector.load %arg11[%swap3A, %swap3A_18] : memref<12800x384xbf16, #tpu.memory_space<vmem>>, vector<12800x128xbf16>
    tpu.vector_store %arg11[%swap3A, %swap3A_18], %select_n3A {strides = array<i32>} : memref<12800x384xbf16, #tpu.memory_space<vmem>>, vector<12800x128xbf16>,
    %broadcast_in_dim3A_20 = vector.shape_cast %convert_element_type3A_12 : vector<12800xi16> to vector<12800x1xi16>
    %eq3A_21 = vector.broadcast %broadcast_in_dim3A_20 : vector<12800x1xi16> to vector<12800x128xi16>
    %eq3A_22 = arith.cmpi eq, %iota3A, %eq3A_21 : vector<12800x128xi16>
    %jit3A_23 = arith.constant 1.000000e+00 : bf16
    %jit3A_24 = arith.constant 0.000000e+00 : bf16
    %broadcast_in_dim3A_25 = vector.broadcast %jit3A_23 : bf16 to vector<12800x128xbf16>
    %broadcast_in_dim3A_26 = vector.broadcast %jit3A_24 : bf16 to vector<12800x128xbf16>
    %select_n3A_27 = arith.select %eq3A_22, %broadcast_in_dim3A_25, %broadcast_in_dim3A_26 : vector<12800x128xi1>, vector<12800x128xbf16>
    %swap3A_28 = arith.constant 0 : index
    %swap3A_29 = arith.constant 128 : index
    %swap3A_30 = vector.load %arg11[%swap3A_28, %swap3A_29] : memref<12800x384xbf16, #tpu.memory_space<vmem>>, vector<12800x128xbf16>
    tpu.vector_store %arg11[%swap3A_28, %swap3A_29], %select_n3A_27 {strides = array<i32>} : memref<12800x384xbf16, #tpu.memory_space<vmem>>, vector<12800x128xbf16>,
    %get3A_31 = arith.constant 0 : index
    %get3A_32 = arith.constant 0 : index
    %get3A_33 = vector.load %arg1[%get3A_31, %get3A_32] : memref<6x12800xf32, #tpu.memory_space<vmem>>, vector<6x12800xf32>
    %convert_element_type3A_34 = arith.truncf %get3A_33 : vector<6x12800xf32> to vector<6x12800xbf16>
    %get3A_35 = arith.constant 0 : index
    %get3A_36 = arith.constant 0 : index
    %get3A_37 = vector.load %arg6[%get3A_35, %get3A_36] : memref<6x128xf32, #tpu.memory_space<vmem>>, vector<6x128xf32>
    %mul3A = arith.constant 5.000000e-01 : f32
    %mul3A_38 = vector.broadcast %mul3A : f32 to vector<6x128xf32>
    %mul3A_39 = arith.mulf %mul3A_38, %get3A_37 : vector<6x128xf32>
    %convert_element_type3A_40 = arith.truncf %mul3A_39 : vector<6x128xf32> to vector<6x128xbf16>
    %dot_general3A = arith.constant dense<0.000000e+00> : vector<12800x128xf32>
    %dot_general3A_41 = tpu.matmul %convert_element_type3A_34, %convert_element_type3A_40, %dot_general3A {dimension_numbers = #tpu.dot_dimension_numbers<[0], [0], [1], [1], [0, 1, 1, 1], [], []>, transpose_lhs_hint = true} : vector<6x12800xbf16>, vector<6x128xbf16>, vector<12800x128xf32> -> vector<12800x128xf32>
    %get3A_42 = arith.constant 0 : index
    %get3A_43 = arith.constant 0 : index
    %get3A_44 = vector.load %arg7[%get3A_42, %get3A_43] : memref<1x128xf32, #tpu.memory_space<vmem>>, vector<1x128xf32>
    %mul3A_45 = arith.constant 5.000000e-01 : f32
    %mul3A_46 = vector.broadcast %mul3A_45 : f32 to vector<1x128xf32>
    %mul3A_47 = arith.mulf %mul3A_46, %get3A_44 : vector<1x128xf32>
    %add3A = vector.broadcast %mul3A_47 : vector<1x128xf32> to vector<12800x128xf32>
    %add3A_48 = arith.addf %dot_general3A_41, %add3A : vector<12800x128xf32>
    %tanh3A = math.tanh %add3A_48 : vector<12800x128xf32>
    %mul3A_49 = arith.mulf %add3A_48, %tanh3A : vector<12800x128xf32>
    %add3A_50 = arith.addf %add3A_48, %mul3A_49 : vector<12800x128xf32>
    %convert_element_type3A_51 = arith.truncf %add3A_50 : vector<12800x128xf32> to vector<12800x128xbf16>
    %swap3A_52 = arith.constant 0 : index
    %swap3A_53 = arith.constant 256 : index
    %swap3A_54 = vector.load %arg11[%swap3A_52, %swap3A_53] : memref<12800x384xbf16, #tpu.memory_space<vmem>>, vector<12800x128xbf16>
    tpu.vector_store %arg11[%swap3A_52, %swap3A_53], %convert_element_type3A_51 {strides = array<i32>} : memref<12800x384xbf16, #tpu.memory_space<vmem>>, vector<12800x128xbf16>,
    %get3A_55 = arith.constant 0 : index
    %get3A_56 = arith.constant 0 : index
    %get3A_57 = vector.load %arg11[%get3A_55, %get3A_56] : memref<12800x384xbf16, #tpu.memory_space<vmem>>, vector<12800x384xbf16>
    %get3A_58 = arith.constant 0 : index
    %get3A_59 = arith.constant 0 : index
    %get3A_60 = vector.load %arg10[%get3A_58, %get3A_59] : memref<384x128xbf16, #tpu.memory_space<vmem>>, vector<384x128xbf16>
    %dot_general3A_61 = arith.constant dense<0.000000e+00> : vector<12800x128xf32>
    %dot_general3A_62 = tpu.matmul %get3A_57, %get3A_60, %dot_general3A_61 {dimension_numbers = #tpu.dot_dimension_numbers<[1], [0], [0], [1], [0, 0, 1, 1], [], []>, transpose_lhs_hint = false} : vector<12800x384xbf16>, vector<384x128xbf16>, vector<12800x128xf32> -> vector<12800x128xf32>
    %tanh3A_63 = math.tanh %dot_general3A_62 : vector<12800x128xf32>
    %mul3A_64 = arith.mulf %dot_general3A_62, %tanh3A_63 : vector<12800x128xf32>
    %add3A_65 = arith.addf %dot_general3A_62, %mul3A_64 : vector<12800x128xf32>
    %swap3A_66 = arith.constant 0 : index
    %swap3A_67 = arith.constant 0 : index
    %swap3A_68 = vector.load %arg9[%swap3A_66, %swap3A_67] : memref<12800x128xf32, #tpu.memory_space<vmem>>, vector<12800x128xf32>
    tpu.vector_store %arg9[%swap3A_66, %swap3A_67], %add3A_65 {strides = array<i32>} : memref<12800x128xf32, #tpu.memory_space<vmem>>, vector<12800x128xf32>,
    return
  }
  func.func @transform_0(%arg0: i32) -> (i32, i32) {
    %c0_i32 = arith.constant 0 : i32
    %c0_i32_0 = arith.constant 0 : i32
    return %c0_i32, %arg0 : i32, i32
  }
  func.func @transform_1(%arg0: i32) -> (i32, i32, i32) {
    %c0_i32 = arith.constant 0 : i32
    %c0_i32_0 = arith.constant 0 : i32
    %c0_i32_1 = arith.constant 0 : i32
    return %arg0, %c0_i32, %c0_i32_0 : i32, i32, i32
  }
  func.func @transform_2(%arg0: i32) -> (i32, i32, i32) {
    %c0_i32 = arith.constant 0 : i32
    %c0_i32_0 = arith.constant 0 : i32
    %c0_i32_1 = arith.constant 0 : i32
    return %arg0, %c0_i32, %c0_i32_0 : i32, i32, i32
  }
  func.func @transform_3(%arg0: i32) -> (i32, i32) {
    %c0_i32 = arith.constant 0 : i32
    %c0_i32_0 = arith.constant 0 : i32
    %c0_i32_1 = arith.constant 0 : i32
    return %c0_i32, %c0_i32_0 : i32, i32
  }
  func.func @transform_4(%arg0: i32) -> (i32, i32) {
    %c0_i32 = arith.constant 0 : i32
    %c0_i32_0 = arith.constant 0 : i32
    %c0_i32_1 = arith.constant 0 : i32
    return %c0_i32, %c0_i32_0 : i32, i32
  }
  func.func @transform_5(%arg0: i32) -> (i32, i32) {
    %c0_i32 = arith.constant 0 : i32
    %c0_i32_0 = arith.constant 0 : i32
    %c0_i32_1 = arith.constant 0 : i32
    return %c0_i32, %c0_i32_0 : i32, i32
  }
  func.func @transform_6(%arg0: i32) -> (i32, i32) {
    %c0_i32 = arith.constant 0 : i32
    %c0_i32_0 = arith.constant 0 : i32
    %c0_i32_1 = arith.constant 0 : i32
    return %c0_i32, %c0_i32_0 : i32, i32
  }
  func.func @transform_7(%arg0: i32) -> (i32, i32) {
    %c0_i32 = arith.constant 0 : i32
    %c0_i32_0 = arith.constant 0 : i32
    %c0_i32_1 = arith.constant 0 : i32
    return %c0_i32, %c0_i32_0 : i32, i32
  }
  func.func @transform_8(%arg0: i32) -> (i32, i32) {
    %c0_i32 = arith.constant 0 : i32
    %c0_i32_0 = arith.constant 0 : i32
    return %arg0, %c0_i32 : i32, i32
  }
}

</mosaic_0001>

<sc_bundles>
// kernel: kernel.4.cloned.1.call-start
scs
__scs_entry_jumppad:
0x0: {  	(pc) =	sbr.rel $0x88, $3  }
0x1: {  	(tag) =	ssettag $0x0;
	lr =	simm.s32 $0x1  }
0x2: {  	[smem:$0x3F98] =	sst lr;
	_ =	strace $0xD0000000  }
0x3: {  	_ = 	snop  }
0x4: {  	_ = 	snop  }
0x5: {  	_ = 	snop  }
0x6: {  	_ = 	snop  }
0x7: {  	_ = 	snop  }
__scs_overlays_trampoline_lowered:
0x8: {  	[smem:$0x3FA7] =	sst s0  }
0x9: {  	[smem:$0x3FA8] =	sst s1  }
0xa: {  	[smem:$0x3FA9] =	sst s2  }
0xb: {  	[smem:$0x3FAA] =	sst s3  }
0xc: {  	[smem:$0x3FAB] =	sst s4  }
0xd: {  	[smem:$0x3FAC] =	sst s5  }
0xe: {  	[smem:$0x3FAD] =	sst s6  }
0xf: {  	[smem:$0x3FAE] =	sst s7  }
0x10: {  	[smem:$0x3FAF] =	sst s8  }
0x11: {  	[smem:$0x3FB0] =	sst s9;
	s0 =	simm.s32 @!p0 $0x0  }
0x12: {  	s1 =	sld [smem:$0x3F96];
	s0 =	simm.s32 @p0 $0x1  }
0x13: {  	[smem:$0x3FB1] =	sst s0;
	s0 =	simm.s32 @!p1 $0x0  }
0x14: {  	s2 =	sld [smem:$0x3F95];
	s0 =	simm.s32 @p1 $0x1  }
0x15: {  	[smem:$0x3FB2] =	sst s0;
	s0 =	simm.s32 @!p2 $0x0  }
0x16: {  	s3 =	sld [smem:$0x3FDB];
	s0 =	simm.s32 @p2 $0x1  }
0x17: {  	s4 =	simm.s32 $0x1BF5;
	[smem:$0x3FB4] =	sst s0  }
0x18: {  	s0 =	sld [smem:$0x3F97];
	_ =	swait.ge [sflag:s4], $0x0  }
0x19: {  	s7 =	sld [smem:$0x3F98]  }
0x1a: {  	s8 =	sadd.s32 $0xFFFFE003, lr  }
0x1b: {  	s9 =	sadd.s32 $0xFFFFFEF7, lr;
	s5 =	simm.s32 $0xFFFFFFFF;
	p2 =	slt.u32 s8, $0xFFFFF086  }
0x1c: {  	p1 =	slt.u32 s9, $0xF7A;
	s5 =	simm.s32 @!p2 $0x0  }
0x1d: {  	s5 =	simm.s32 @p1 $0x1;
	p0 =	seq.s32 s7, s2  }
0x1e: {  	s7 =	smul.u32 @!p0 $0xF7A, s2;
	p2 =	seq.s32 @!p0 s5, $0x0  }
0x1f: {  	s9 =	smul.u32 $0xF7A, s1;
	s8 =	simm.s32 @!p0 $0x1BF5;
	p2 =	por !p2, p0  }
0x20: {  	[sflag:s8] =	ssyncset.s32 @!p0 $0xFFFFF086;
	s6 =	sadd.s32 @!p0 s3, s7;
	s7 =	simm.s32 @!p0 $0x108  }
0x21: {  	s3 =	sadd.s32 s3, s9;
	s6 =	sadd.s32 @!p0 $0x88, s6;
	s7 =	simm.s32 @p2 $0x1082  }
0x22: {  	[simem:s7], [sflag:s8] =	dma.local @!p0 [hbm:s6], $0xF7A  }
0x23: {  	s9 =	sor.u32 $0xD0000000, s2;
	s6 =	simm.s32 $0x108;
	_ =	swait.ge @!p0 [sflag:s8], $0x0  }
0x24: {  	s3 =	sadd.s32 $0x88, s3;
	s6 =	simm.s32 @!p1 $0x1082;
	[sflag:s4] =	ssyncset.s32 $0xFFFFF086  }
0x25: {  	[simem:s6], [sflag:s4] =	dma.local [hbm:s3], $0xF7A  }
0x26: {  	[smem:$0x3F98] =	sst s1;
	(tag) =	ssettag s2;
	_ =	strace s9  }
0x27: {  	s1 =	sld [smem:$0x3FA8]  }
0x28: {  	s2 =	sld [smem:$0x3FA9]  }
0x29: {  	s4 =	sld [smem:$0x3FAB]  }
0x2a: {  	p0 =	seq.s32 s5, $0x0;
	s5 =	sld [smem:$0x3FAC]  }
0x2b: {  	s6 =	sld [smem:$0x3FAD]  }
0x2c: {  	s7 =	sld [smem:$0x3FAE]  }
0x2d: {  	s3 =	simm.s32 $0x108;
	s8 =	sld [smem:$0x3FAF]  }
0x2e: {  	s3 =	simm.s32 @!p0 $0x1082;
	s9 =	sld [smem:$0x3FB0]  }
0x2f: {  	lr =	sadd.s32 s0, s3;
	s0 =	sld [smem:$0x3FA7]  }
0x30: {  	s3 =	sld [smem:$0x3FAA]  }
0x31: {  	[smem:$0x3FB3] =	sst s10  }
0x32: {  	s10 =	sld [smem:$0x3FB1];
	_ =	sdelay $0x3  }
0x33: {  	p0 =	seq.s32 s10, $0x1;
	s10 =	sld [smem:$0x3FB3];
	_ =	sdelay $0x3  }
0x34: {  	[smem:$0x3FB3] =	sst s10  }
0x35: {  	s10 =	sld [smem:$0x3FB2];
	_ =	sdelay $0x3  }
0x36: {  	p1 =	seq.s32 s10, $0x1;
	s10 =	sld [smem:$0x3FB3];
	_ =	sdelay $0x3  }
0x37: {  	[smem:$0x3FB3] =	sst s10  }
0x38: {  	s10 =	sld [smem:$0x3FB4]  }
0x39: {  	_ = 	snop;
	(pc) =	sbr.ind lr, $3  }
0x3a: {  	_ = 	snop  }
0x3b: {  	_ = 	snop  }
0x3c: {  	p2 =	seq.s32 s10, $0x1;
	s10 =	sld [smem:$0x3FB3]  }
0x3d: {  	_ =	shalt  }
0x3e: {  	_ =	shalt  }
0x3f: {  	_ =	shalt  }
0x40: {  	_ =	shalt  }
0x41: {  	_ =	shalt  }
0x42: {  	_ =	shalt  }
0x43: {  	_ =	shalt  }
0x44: {  	_ =	shalt  }
0x45: {  	_ =	shalt  }
0x46: {  	_ =	shalt  }
0x47: {  	_ =	shalt  }
0x48: {  	_ =	shalt  }
0x49: {  	_ =	shalt  }
0x4a: {  	_ =	shalt  }
0x4b: {  	_ =	shalt  }
0x4c: {  	_ =	shalt  }
0x4d: {  	_ =	shalt  }
0x4e: {  	_ =	shalt  }
0x4f: {  	_ =	shalt  }
0x50: {  	_ =	shalt  }
0x51: {  	_ =	shalt  }
0x52: {  	_ =	shalt  }
0x53: {  	_ =	shalt  }
0x54: {  	_ =	shalt  }
0x55: {  	_ =	shalt  }
0x56: {  	_ =	shalt  }
0x57: {  	_ =	shalt  }
0x58: {  	_ =	shalt  }
0x59: {  	_ =	shalt  }
0x5a: {  	_ =	shalt  }
0x5b: {  	_ =	shalt  }
0x5c: {  	_ =	shalt  }
0x5d: {  	_ =	shalt  }
0x5e: {  	_ =	shalt  }
0x5f: {  	_ =	shalt  }
0x60: {  	_ =	shalt  }
0x61: {  	_ =	shalt  }
0x62: {  	_ =	shalt  }
0x63: {  	_ =	shalt  }
0x64: {  	_ =	shalt  }
0x65: {  	_ =	shalt  }
0x66: {  	_ =	shalt  }
0x67: {  	_ =	shalt  }
0x68: {  	_ =	shalt  }
0x69: {  	_ =	shalt  }
0x6a: {  	_ =	shalt  }
0x6b: {  	_ =	shalt  }
0x6c: {  	_ =	shalt  }
0x6d: {  	_ =	shalt  }
0x6e: {  	_ =	shalt  }
0x6f: {  	_ =	shalt  }
0x70: {  	_ =	shalt  }
0x71: {  	_ =	shalt  }
0x72: {  	_ =	shalt  }
0x73: {  	_ =	shalt  }
0x74: {  	_ =	shalt  }
0x75: {  	_ =	shalt  }
0x76: {  	_ =	shalt  }
0x77: {  	_ =	shalt  }
0x78: {  	_ =	shalt  }
0x79: {  	_ =	shalt  }
0x7a: {  	_ =	shalt  }
0x7b: {  	_ =	shalt  }
0x7c: {  	_ =	shalt  }
0x7d: {  	_ =	shalt  }
0x7e: {  	_ =	shalt  }
0x7f: {  	_ =	shalt  }
0x80: {  	_ =	shalt  }
0x81: {  	_ =	shalt  }
0x82: {  	_ =	shalt  }
0x83: {  	_ =	shalt  }
0x84: {  	_ =	shalt  }
0x85: {  	_ =	shalt  }
0x86: {  	_ =	shalt  }
0x87: {  	_ =	shalt  }
.Lfunc_end0:
.L_simem_size_0:
called_computation_lowered:
.L_overlay_start_0:
0x88: {  	s2 =	sld [smem:$0x3FD9]  }
0x89: {  	s3 =	sld [smem:$0x3FFE];
	_ =	sdelay $0x1  }
0x8a: {  	s1 =	srdreg.scid  }
0x8b: {  	s0 =	sand.u32 $0x1, s1  }
0x8c: {  	s17 =	sshll.u32 s0, $0xA;
	s2 =	sadd.s32 s3, s2  }
0x8d: {  	s2 =	sadd.s32 s2, s17  }
0x8e: {  	[smem:$0x3FBF] =	sst s2  }
0x8f: {  	_ = 	snop  }
0x90: {  	s2 =	sld [smem:$0x3FC9]  }
0x91: {  	s18 =	sld [smem:$0x3FC7]  }
0x92: {  	s4 =	sld [smem:$0x3FC6]  }
0x93: {  	s5 =	sld [smem:$0x3FD0];
	(tm) =	ssettm $0x1  }
0x94: {  	s6 =	sld [smem:$0x3FFB];
	_ =	sdelay $0x3  }
0x95: {  	_ =	strace s6  }
0x96: {  	s6 =	sld [smem:$0x3FFC];
	_ =	sdelay $0x3  }
0x97: {  	_ =	strace s6  }
0x98: {  	s6 =	sld [smem:$0x3FFD];
	_ =	sdelay $0x3  }
0x99: {  	_ =	strace s6  }
0x9a: {  	_ =	strace $0x8FFFFFFF  }
0x9b: {  	s19 =	sld [smem:$0x3FDB];
	_ =	sdelay $0x1  }
0x9c: {  	s7 =	simm.s32 $_scs_section_size  }
0x9d: {  	s8 =	simm.s32 $_size__tile_overlayer_lowered;
	s9 =	simm.s32 $_tile_overlayer_lowered  }
0x9e: {  	s22 =	simm.s32 $0x1BFF;
	s21 =	sshll.u32 s9, $0x1;
	s6 =	sadd.s32 s7, s19  }
0x9f: {  	s10 =	simm.s32 $0x0;
	s20 =	sshll.u32 s8, $0x1;
	s8 =	sadd.s32 s21, s6  }
0xa0: {  	[timem:s10], [sflag:s22] =	dma.local [hbm:s8], s20  }
0xa1: {  	_ =	swait.ge [sflag:s22], s20  }
0xa2: {  	s7 =	ssub.s32 $0x0, s20;
	[sflag:s22] =	ssyncset.done $0x0  }
0xa3: {  	[sflag:s22] =	ssyncadd.s32 s7;
	_ =	sdelay $0x1  }
0xa4: {  	s23 =	simm.s32 $0x1B8B  }
0xa5: {  	_ =	swait.ge [sflag:s23], $0x1  }
0xa6: {  	[sflag:s23] =	ssyncset.done $0x0  }
0xa7: {  	s25 =	simm.s32 $0x1B8E;
	s24 =	sld [smem:$0x3FFE];
	[sflag:s23] =	ssyncadd.s32 $0xFFFFFFFF  }
0xa8: {  	s26 =	simm.s32 $execute0_lowered;
	[smem:$0x3FD2] =	sst s25  }
0xa9: {  	s8 =	sshll.u32 s26, $0x1;
	_ =	strace $0x80000046;
	[dreg:$0x1] =	wrdreg $0xFFFFFFFF  }
0xaa: {  	s28 =	simm.s32 $_size_execute0_lowered;
	s6 =	sadd.s32 s6, s8;
	[dreg:$0x0] =	wrdreg $0x0  }
0xab: {  	s8 =	sshll.u32 s28, $0x1;
	[dreg:$0x2] =	wrdreg s6  }
0xac: {  	[dreg:$0x3] =	wrdreg s8  }
0xad: {  	[dreg:$0x4] =	wrdreg $0xC0  }
0xae: {  	_ =	task [dreg:s10], $0x5FFFF  }
0xaf: {  	[dreg:$0x1] =	wrdreg $0xFFFFFFFF  }
0xb0: {  	[dreg:$0x0] =	wrdreg $0x60  }
0xb1: {  	[dreg:$0x2] =	wrdreg s2  }
0xb2: {  	[dreg:$0x3] =	wrdreg s18  }
0xb3: {  	[dreg:$0x4] =	wrdreg s4  }
0xb4: {  	[dreg:$0x5] =	wrdreg s5  }
0xb5: {  	[dreg:$0x6] =	wrdreg s24  }
0xb6: {  	[dreg:$0x7] =	wrdreg $0x9  }
0xb7: {  	_ =	task.clear_ibuf [dreg:s10], $0x8FFFF;
	_ =	strace $0x90000046  }
0xb8: {  	s29 =	simm.s32 $0x9;
	_ =	strace $0x80000048  }
0xb9: {  	_ =	swait.ge [sflag:s29], $0x1  }
0xba: {  	[sflag:s29] =	ssyncadd.s32 $0xFFFFFFFF  }
0xbb: {  	_ =	strace $0x90000048  }
0xbc: {  	_ =	sfence  }
0xbd: {  	s30 =	sld [smem:$0x0];
	_ =	sdelay $0x2  }
0xbe: {  	s31 =	sshll.u32 s1, $0xD;
	s1 =	sshrl.u32 s1, $0x2  }
0xbf: {  	s3 =	sand.u32 $0x4000, s31;
	s1 =	sadd.s32 s1, s30  }
0xc0: {  	s0 =	sor.u32 s3, s0;
	s1 =	sshll.u32 s1, $0x11  }
0xc1: {  	s0 =	sor.u32 s1, s0  }
0xc2: {  	s0 =	sadd.s32 $0x8F2B, s0  }
0xc3: {  	[sflag:s0] =	ssyncadd.remote.s32 $0x1  }
0xc4: {  	_ =	sfence.sel $0xFFFF  }
0xc5: {  	[dreg:$0x0] =	wrdreg $0xFFFFFFFF;
	(pc) =	sbr.abs _section_cstart, $3  }
0xc6: {  	[dreg:$0x1] =	wrdreg $0xFFFFFFFF  }
0xc7: {  	_ =	task.clear_ibuf [dreg:s10], $0x2FFFF;
	_ =	strace $0x9FFFFFFF  }
0xc8: {  	(tm) =	ssettm $0x7FFFFFFF  }
0xc9: {  	_ =	shalt  }
tec
execute0_lowered:
.L_overlay_start_1:
0x0: {  	(tag) =	ssettag $0x1  }
0x1: {  	s0 =	rddreg [dreg:$0x0]  }
0x2: {  	s4 =	rddreg [dreg:$0x1]  }
0x3: {  	s5 =	rddreg [dreg:$0x2]  }
0x4: {  	s6 =	rddreg [dreg:$0x3]  }
0x5: {  	s2 =	srdreg.scid;
	s1 =	stileid.u32  }
0x6: {  	s7 =	rddreg [dreg:$0x4];
	s3 =	simm.s32 $0x0;
	s12 =	simm.s32 $0x8B80  }
0x7: {  	s13 =	simm.s32 $0x2;
	s8 =	sand.u32 $0x1, s2;
	s9 =	sshll.u32 s1, $0x1  }
0x8: {  	s14 =	simm.s32 $0xBD80;
	s2 =	rddreg [dreg:$0x5];
	s9 =	sor.u32 s8, s9  }
0x9: {  	s15 =	simm.s32 $0x0;
	[smem:$0x7FF] =	sst s3;
	s10 =	smul.u32 $0x640, s9  }
.Ltmp0:
0xa: {  	s8 =	ssub.s32 $0x2, s8;
	_ =	strace $0x80000047;
	(pc) =	sbr.rel .LBB2_1-.Ltmp0, $4  }
0xb: {  	s11 =	sshrl.u32 s8, $0x1;
	p0 =	sgt.u32 s9, $0x18;
	s9 =	simm.s32 $0x1  }
0xc: {  	s8 =	ssub.s32 s8, s11;
	s11 =	simm.s32 $0x5980;
	s7 =	sadd.s32 s10, s7  }
0xd: {  	s4 =	sadd.s32 s4, s10;
	s5 =	sadd.s32 s5, s10;
	s6 =	sadd.s32 s6, s10  }
0xe: {  	s8 =	smax.u32 s8, $0x1;
	s10 =	simm.s32 $0x2780;
	s7 =	sadd.s32 $0x1800, s7  }
.LBB2_4:
0xf: {  	_ =	sdelay $0x1  }
0x10: {  	v2 =	vld [tilespmem:s18+$0x2780]  }
0x11: {  	[tilespmem:s16+$0x8BC0] =	vst v1  }
0x12: {  	v0 =	vld.idx.msk [tilespmem:v0+s3+$0x0], $0xffff;
	_ =	sdelay $0x3  }
0x13: {  	v1 =	vld [tilespmem:s18+$0x5980]  }
0x14: {  	[tilespmem:s16+$0xBDC0] =	vst v0  }
0x15: {  	v0 =	vld.idx.msk [tilespmem:v2+s3+$0x0], $0xffff;
	_ =	sdelay $0x3  }
0x16: {  	v56 =	vld [tilespmem:s18+$0x2790]  }
0x17: {  	[tilespmem:s18+$0x8B80] =	vst v0  }
0x18: {  	v1 =	vld.idx.msk [tilespmem:v1+s3+$0x0], $0xffff;
	_ =	sdelay $0x3  }
0x19: {  	v57 =	vld [tilespmem:s18+$0x5990]  }
0x1a: {  	[tilespmem:s18+$0xBD80] =	vst v1  }
0x1b: {  	v0 =	vld.idx.msk [tilespmem:v56+s3+$0x0], $0xffff;
	_ =	sdelay $0x3  }
0x1c: {  	v58 =	vld [tilespmem:s18+$0x27A0]  }
0x1d: {  	[tilespmem:s18+$0x8B90] =	vst v0  }
0x1e: {  	v1 =	vld.idx.msk [tilespmem:v57+s3+$0x0], $0xffff;
	_ =	sdelay $0x3  }
0x1f: {  	v59 =	vld [tilespmem:s18+$0x59A0]  }
0x20: {  	[tilespmem:s18+$0xBD90] =	vst v1  }
0x21: {  	v0 =	vld.idx.msk [tilespmem:v58+s3+$0x0], $0xffff;
	_ =	sdelay $0x3  }
0x22: {  	v60 =	vld [tilespmem:s18+$0x27B0]  }
0x23: {  	[tilespmem:s18+$0x8BA0] =	vst v0  }
0x24: {  	v1 =	vld.idx.msk [tilespmem:v59+s3+$0x0], $0xffff;
	_ =	sdelay $0x3  }
0x25: {  	v61 =	vld [tilespmem:s18+$0x59B0]  }
0x26: {  	[tilespmem:s18+$0xBDA0] =	vst v1  }
0x27: {  	v0 =	vld.idx.msk [tilespmem:v60+s3+$0x0], $0xffff;
	_ =	sdelay $0x3  }
0x28: {  	v62 =	vld [tilespmem:s18+$0x27C0]  }
0x29: {  	[tilespmem:s18+$0x8BB0] =	vst v0  }
0x2a: {  	v1 =	vld.idx.msk [tilespmem:v61+s3+$0x0], $0xffff;
	_ =	sdelay $0x3  }
0x2b: {  	v63 =	vld [tilespmem:s18+$0x59C0]  }
0x2c: {  	[tilespmem:s18+$0xBDB0] =	vst v1  }
0x2d: {  	v0 =	vld.idx.msk [tilespmem:v62+s3+$0x0], $0xffff;
	_ =	sdelay $0x4  }
0x2e: {  	[tilespmem:s18+$0x8BC0] =	vst v0  }
0x2f: {  	v0 =	vld.idx.msk [tilespmem:v63+s3+$0x0], $0xffff;
	_ =	sdelay $0x4  }
0x30: {  	[tilespmem:s18+$0xBDC0] =	vst v0  }
0x31: {  	[hbm4b:s6+s3] =	stream.linear.scatter [tilespmem:s12], [sflag:$0x2], $0x3200, $0x38;
	[tilespmem:$0xEF80] =	vst v63  }
0x32: {  	_ =	swait.ge [sflag:s13], $0x3200  }
0x33: {  	[sflag:s13] =	ssyncset.done $0x0  }
0x34: {  	[sflag:s13] =	ssyncadd.s32 $0xFFFFCE00  }
0x35: {  	[hbm4b:s7+s3] =	stream.linear.scatter [tilespmem:s14], [sflag:$0x2], $0x3200, $0x38;
	[tilespmem:$0xEF80] =	vst v63  }
0x36: {  	_ =	swait.ge [sflag:s13], $0x3200  }
0x37: {  	[sflag:s13] =	ssyncset.done $0x0  }
0x38: {  	[sflag:s13] =	ssyncadd.s32 $0xFFFFCE00  }
.LBB2_5:
0x39: {  	s15 =	sadd.s32 $0x1, s15  }
0x3a: {  	p1 =	sne.s32 s15, s8  }
.Ltmp1:
0x3b: {  	_ = 	snop;
	(pc) =	sbr.rel @!p1 .LBB2_6-.Ltmp1, $1  }
0x3c: {  	_ =	sdelay $0x3  }
.LBB2_1:
.Ltmp2:
0x3d: {  	(pc) =	sbr.rel @p0 .LBB2_5-.Ltmp2, $4  }
0x3e: {  	[tilespmem:s3], [sflag:$0x1] =	stream.linear.gather [hbm4b:s0+s3], $0x2780, $0x38;
	[tilespmem:$0xEF80] =	vst v63  }
0x3f: {  	_ =	swait.ge [sflag:s9], $0x2780  }
0x40: {  	[sflag:s9] =	ssyncset.done $0x0  }
0x41: {  	[sflag:s9] =	ssyncadd.s32 $0xFFFFD880  }
0x42: {  	s16 =	simm.s32 $0x0  }
0x43: {  	[tilespmem:s10], [sflag:$0x1] =	stream.linear.gather [hbm4b:s4+s16], $0x3200, $0x38;
	[tilespmem:$0xEF80] =	vst v63  }
0x44: {  	_ = 	snop  }
0x45: {  	[tilespmem:s11], [sflag:$0x1] =	stream.linear.gather [hbm4b:s5+s16], $0x3200, $0x38;
	[tilespmem:$0xEF80] =	vst v63  }
0x46: {  	_ =	swait.ge [sflag:s9], $0x3200  }
0x47: {  	[sflag:s9] =	ssyncset.done $0x0  }
0x48: {  	[sflag:s9] =	ssyncadd.s32 $0xFFFFCE00  }
0x49: {  	_ =	swait.ge [sflag:s9], $0x3200  }
0x4a: {  	[sflag:s9] =	ssyncset.done $0x0  }
0x4b: {  	s16 =	simm.s32 $0x0;
	[sflag:s9] =	ssyncadd.s32 $0xFFFFCE00  }
0x4c: {  	v0 =	vld [tilespmem:s16+$0x2780];
	_ =	sdelay $0x5  }
0x4d: {  	v1 =	vld [tilespmem:s16+$0x5980];
	_ =	sdelay $0x1  }
0x4e: {  	v0 =	vld.idx.msk [tilespmem:v0+s3+$0x0], $0xffff;
	_ =	sdelay $0x4  }
0x4f: {  	[tilespmem:s16+$0x8B80] =	vst v0;
	v0 =	vld [tilespmem:s16+$0x2790]  }
0x50: {  	v1 =	vld.idx.msk [tilespmem:v1+s3+$0x0], $0xffff;
	_ =	sdelay $0x4  }
0x51: {  	[tilespmem:s16+$0xBD80] =	vst v1;
	v1 =	vld [tilespmem:s16+$0x5990];
	_ =	sdelay $0x1  }
0x52: {  	v0 =	vld.idx.msk [tilespmem:v0+s3+$0x0], $0xffff;
	_ =	sdelay $0x4  }
0x53: {  	[tilespmem:s16+$0x8B90] =	vst v0;
	v0 =	vld [tilespmem:s16+$0x27A0]  }
0x54: {  	v1 =	vld.idx.msk [tilespmem:v1+s3+$0x0], $0xffff;
	_ =	sdelay $0x4  }
0x55: {  	[tilespmem:s16+$0xBD90] =	vst v1;
	v1 =	vld [tilespmem:s16+$0x59A0];
	_ =	sdelay $0x1  }
0x56: {  	v0 =	vld.idx.msk [tilespmem:v0+s3+$0x0], $0xffff;
	_ =	sdelay $0x4  }
0x57: {  	[tilespmem:s16+$0x8BA0] =	vst v0;
	v0 =	vld [tilespmem:s16+$0x27B0]  }
0x58: {  	v1 =	vld.idx.msk [tilespmem:v1+s3+$0x0], $0xffff;
	_ =	sdelay $0x4  }
0x59: {  	[tilespmem:s16+$0xBDA0] =	vst v1;
	v1 =	vld [tilespmem:s16+$0x59B0];
	_ =	sdelay $0x1  }
0x5a: {  	v0 =	vld.idx.msk [tilespmem:v0+s3+$0x0], $0xffff;
	_ =	sdelay $0x4  }
0x5b: {  	v2 =	vld [tilespmem:s16+$0x27C0];
	[tilespmem:s16+$0x8BB0] =	vst v0  }
0x5c: {  	v0 =	vld.idx.msk [tilespmem:v1+s3+$0x0], $0xffff;
	_ =	sdelay $0x4  }
0x5d: {  	[tilespmem:s16+$0xBDB0] =	vst v0;
	v0 =	vld [tilespmem:s16+$0x59C0];
	_ =	sdelay $0x1  }
0x5e: {  	v1 =	vld.idx.msk [tilespmem:v2+s3+$0x0], $0xffff;
	_ =	sdelay $0x3  }
0x5f: {  	s18 =	simm.s32 $0x50;
	s17 =	simm.s32 $0x280  }
.LBB2_3:
0x60: {  	p1 =	sne.s32 s17, $0xC6C0;
	v2 =	vld [tilespmem:s18+$0x2780];
	[tilespmem:s16+$0x8BC0] =	vst v1  }
0x61: {  	v0 =	vld.idx.msk [tilespmem:v0+s3+$0x0], $0xffff;
	_ =	sdelay $0x5  }
0x62: {  	v1 =	vld [tilespmem:s18+$0x5980];
	[tilespmem:s16+$0xBDC0] =	vst v0;
	s16 =	smov.u32 s18  }
0x63: {  	v0 =	vld.idx.msk [tilespmem:v2+s3+$0x0], $0xffff;
	_ =	sdelay $0x5  }
0x64: {  	[tilespmem:s16+$0x8B80] =	vst v0;
	v0 =	vld [tilespmem:s16+$0x2790]  }
0x65: {  	v1 =	vld.idx.msk [tilespmem:v1+s3+$0x0], $0xffff;
	_ =	sdelay $0x5  }
0x66: {  	[tilespmem:s16+$0xBD80] =	vst v1;
	v1 =	vld [tilespmem:s16+$0x5990]  }
0x67: {  	v0 =	vld.idx.msk [tilespmem:v0+s3+$0x0], $0xffff;
	_ =	sdelay $0x5  }
0x68: {  	[tilespmem:s16+$0x8B90] =	vst v0;
	v0 =	vld [tilespmem:s16+$0x27A0]  }
0x69: {  	v1 =	vld.idx.msk [tilespmem:v1+s3+$0x0], $0xffff;
	_ =	sdelay $0x5  }
0x6a: {  	[tilespmem:s16+$0xBD90] =	vst v1;
	v1 =	vld [tilespmem:s16+$0x59A0]  }
0x6b: {  	v0 =	vld.idx.msk [tilespmem:v0+s3+$0x0], $0xffff;
	_ =	sdelay $0x5  }
0x6c: {  	[tilespmem:s16+$0x8BA0] =	vst v0;
	v0 =	vld [tilespmem:s16+$0x27B0]  }
0x6d: {  	v1 =	vld.idx.msk [tilespmem:v1+s3+$0x0], $0xffff;
	_ =	sdelay $0x5  }
0x6e: {  	[tilespmem:s16+$0xBDA0] =	vst v1;
	v1 =	vld [tilespmem:s16+$0x59B0]  }
0x6f: {  	v0 =	vld.idx.msk [tilespmem:v0+s3+$0x0], $0xffff;
	_ =	sdelay $0x5  }
0x70: {  	[tilespmem:s16+$0x8BB0] =	vst v0;
	v2 =	vld [tilespmem:s16+$0x27C0]  }
0x71: {  	v0 =	vld.idx.msk [tilespmem:v1+s3+$0x0], $0xffff;
	_ =	sdelay $0x5  }
0x72: {  	[tilespmem:s16+$0xBDB0] =	vst v0;
	v0 =	vld [tilespmem:s16+$0x59C0]  }
0x73: {  	v1 =	vld.idx.msk [tilespmem:v2+s3+$0x0], $0xffff  }
.Ltmp3:
0x74: {  	(pc) =	sbr.rel @p1 .LBB2_3-.Ltmp3, $2  }
0x75: {  	_ =	sdelay $0x2  }
0x76: {  	s18 =	sshra.s32 s17, $0x2;
	s17 =	sadd.s32 $0x140, s17  }
.Ltmp4:
0x77: {  	_ = 	snop;
	(pc) =	sbr.rel .LBB2_4-.Ltmp4, $1  }
0x78: {  	_ =	sdelay $0x3  }
.LBB2_6:
0x79: {  	_ =	sfence.sel $0x180000  }
0x7a: {  	[bflag:$0x0] =	sbarrier.arrive $0xFFFF  }
0x7b: {  	p0 =	sne.s32 s1, $0x0;
	_ =	strace $0x90000047  }
0x7c: {  	s0 =	sadd.s32 @!p0 $0x100000, s2;
	[bflag:$0x2] =	sbarrier.arrive $0xFFFF  }
0x7d: {  	[sflag:s0] =	ssyncadd.tile.s32 @!p0 $0x1;
	_ =	shalt  }
.Lfunc_end2:
_tile_overlayer_lowered:
.L_overlay_start_2:
0x7e: {  	(tag) =	ssettag $0x2  }
0x7f: {  	s0 =	rddreg [dreg:$0x0];
	s2 =	stileid.u32  }
0x80: {  	s1 =	rddreg [dreg:$0x1];
	p0 =	sne.s32 s2, $0x0  }
0x81: {  	s3 =	rddreg [dreg:$0x2];
	[bflag:$0x3] =	sbarrier.arrive $0xFFFF;
	s2 =	simm.s32 @!p0 $0x1C02  }
0x82: {  	[timem:s3], [sflag:s2] =	dma.local @!p0 [hbm:s0], s1  }
0x83: {  	s0 =	simm.s32 @!p0 $0x2  }
0x84: {  	_ =	swait.ge @!p0 [sflag:s0], s1  }
0x85: {  	s1 =	ssub.s32 @!p0 $0x0, s1;
	[sflag:s0] =	ssyncset.done @!p0 $0x0  }
0x86: {  	[sflag:s0] =	ssyncadd.s32 @!p0 s1  }
0x87: {  	[bflag:$0x3] =	sbarrier.arrive $0xFFFF  }
0x88: {  	_ =	shalt  }

</sc_bundles>
